<compile_context>
chip_gen: v7x
topology: tpu7x:2x2x1
jax: 0.10.2.dev20260603
libtpu: 0.0.44.dev20260713+nightly
codegen_flags: <defaults>
</compile_context>

<pallas_src>
import functools

import jax
import jax.numpy as jnp
from jax import lax
from jax.experimental import pallas as pl
from jax.experimental.pallas import tpu as pltpu
from jax.experimental.pallas import tpu_sc as plsc

_D = 64
_NC = 2
_NS = 16
_CH = 4
_L = 128

_mesh = plsc.VectorSubcoreMesh(core_axis_name="c", subcore_axis_name="s", num_cores=_NC)


@functools.partial(
    pl.kernel,
    mesh=_mesh,
    compiler_params=pltpu.CompilerParams(use_tc_tiling_on_sc=False),
    out_type=jax.ShapeDtypeStruct((16, 1024, _D), jnp.float32),
    scratch_types=[
        pltpu.VMEM((_CH, _L), jnp.int32),
        pltpu.VMEM((_CH, _L, _D), jnp.float32),
    ]
    + [pltpu.SemaphoreType.DMA] * (2 * _CH),
)
def _gather_rows(idx_hbm, table_hbm, out_hbm, idx_v, rows_v, *sems):
    gsems, wsems = sems[:_CH], sems[_CH:]
    wid = lax.axis_index("s") * _NC + lax.axis_index("c")
    slab = wid // 2
    half = wid % 2
    rt = slab // 8
    ct = slab % 8
    pltpu.sync_copy(idx_hbm.at[rt, ct, pl.ds(half * _CH, _CH)], idx_v)
    gathers = [
        pltpu.async_copy(table_hbm.at[idx_v.at[j]], rows_v.at[j], gsems[j])
        for j in range(_CH)
    ]
    writes = []
    for j in range(_CH):
        gathers[j].wait()
        b = rt * 8 + half * _CH + j
        writes.append(
            pltpu.async_copy(
                rows_v.at[j], out_hbm.at[b, pl.ds(ct * _L, _L)], wsems[j]
            )
        )
    for w in writes:
        w.wait()


def _retile_body(in_ref, out_ref):
    x = in_ref[...].reshape(4, 512, 2 * _D)
    a = x[:, :, :_D]
    b = x[:, :, _D:]
    i_s = jax.lax.broadcasted_iota(jnp.int32, (512, 1024), 0)
    i_t = jax.lax.broadcasted_iota(jnp.int32, (512, 1024), 1)
    ea = (i_t == 2 * i_s).astype(jnp.float32)
    eb = (i_t == 2 * i_s + 1).astype(jnp.float32)

    def dg(m, e):
        return jax.lax.dot_general(
            m,
            e,
            (((1,), (0,)), ((), ())),
            precision=jax.lax.Precision.DEFAULT,
            preferred_element_type=jnp.float32,
        )

    out_ref[...] = dg(a, ea) + dg(b, eb)


_retile = pl.pallas_call(
    _retile_body,
    grid=(4,),
    in_specs=[pl.BlockSpec((4 * 512 * 2 * _D,), lambda g: (g,))],
    out_specs=pl.BlockSpec((4, _D, 1024), lambda g: (g, 0, 0)),
    out_shape=jax.ShapeDtypeStruct((16, _D, 1024), jnp.float32),
)


def kernel(embed_id, weight):
    idx4 = jnp.transpose(
        embed_id.astype(jnp.int32).reshape(2, 8, 8, 128), (0, 2, 1, 3)
    )
    out_sc = _gather_rows(idx4, weight)
    out_bdt = _retile(out_sc.reshape(-1))
    return jnp.transpose(out_bdt, (0, 2, 1))

# --- scband reference (transcript-rebuilt; emitter-appended) ---
"""Pipeline reference for scband-embedding-ema-86517821211381 (READ-ONLY COPY).

The authoritative reference and input builder live on the scoring server;
editing this copy changes nothing except your own understanding.
"""

import jax, jax.numpy as jnp
import numpy as np

NUM_TOKENS = 8192
CODEBOOK_DIM = 64

def setup_inputs(seed: int = 0) -> dict:
    key = jax.random.key(seed)
    k1, k2 = jax.random.split(key)
    embed_id = jax.random.randint(k1, (16, 1024), 0, NUM_TOKENS, dtype=jnp.int64 if jax.config.jax_enable_x64 else jnp.int32)
    weight = jax.random.normal(k2, (NUM_TOKENS, CODEBOOK_DIM), dtype=jnp.float32)
    return {"embed_id": embed_id, "weight": weight}

def reference(embed_id, weight):
    # F.embedding(embed_id, self.weight) -> gather rows of the codebook
    return jnp.take(weight, embed_id, axis=0)

if __name__ == "__main__":
    import jax
    _d = setup_inputs()
    print(jax.jit(kernel)(*tuple(_d.values())))

</pallas_src>

<mosaic_0001>
#map = affine_map<(d0, d1) -> (0, 0, 0, 0)>
#map1 = affine_map<(d0, d1) -> (0, 0)>
#map2 = affine_map<(d0, d1) -> (0, 0, 0)>
module attributes {stable_mosaic.version = 14 : i64} {
  func.func @_gather_rows(%arg0: i32, %arg1: i32, %arg2: memref<2x8x8x128xi32, #tpu.memory_space<hbm>>, %arg3: memref<8192x64xf32, #tpu.memory_space<hbm>>, %arg4: memref<16x1024x64xf32, #tpu.memory_space<hbm>>, %arg5: memref<4x128xi32, #tpu.memory_space<vmem>>, %arg6: memref<4x128x64xf32, #tpu.memory_space<vmem>>, %arg7: memref<!tpu.dma_semaphore, #tpu.memory_space<semaphore_mem>>, %arg8: memref<!tpu.dma_semaphore, #tpu.memory_space<semaphore_mem>>, %arg9: memref<!tpu.dma_semaphore, #tpu.memory_space<semaphore_mem>>, %arg10: memref<!tpu.dma_semaphore, #tpu.memory_space<semaphore_mem>>, %arg11: memref<!tpu.dma_semaphore, #tpu.memory_space<semaphore_mem>>, %arg12: memref<!tpu.dma_semaphore, #tpu.memory_space<semaphore_mem>>, %arg13: memref<!tpu.dma_semaphore, #tpu.memory_space<semaphore_mem>>, %arg14: memref<!tpu.dma_semaphore, #tpu.memory_space<semaphore_mem>>) attributes {dimension_semantics = [#tpu.dimension_semantics<core_parallel>, #tpu.dimension_semantics<subcore_parallel>], iteration_bounds = array<i64: 2, 16>, scalar_prefetch = 0 : i64, scratch_operands = 10 : i64, tpu.core_type = #tpu.core_type<sc_vector_subcore>, window_params = [{transform_indices = #map}, {transform_indices = #map1}, {transform_indices = #map2}]} {
    %mul3A = arith.constant 2 : i32
    %mul3A_0 = arith.muli %arg1, %mul3A : i32
    %add3A = arith.addi %mul3A_0, %arg0 : i32
    %jit3A = arith.constant 2 : i32
    %div3A = arith.divsi %add3A, %jit3A : i32
    %sign3A = arith.constant 0 : i32
    %sign3A_1 = arith.cmpi sgt, %add3A, %sign3A : i32
    %sign3A_2 = arith.extui %sign3A_1 : i1 to i32
    %sign3A_3 = arith.constant 0 : i32
    %sign3A_4 = arith.cmpi slt, %add3A, %sign3A_3 : i32
    %sign3A_5 = arith.extui %sign3A_4 : i1 to i32
    %sign3A_6 = arith.subi %sign3A_2, %sign3A_5 : i32
    %sign3A_7 = arith.constant 0 : i32
    %sign3A_8 = arith.cmpi sgt, %jit3A, %sign3A_7 : i32
    %sign3A_9 = arith.extui %sign3A_8 : i1 to i32
    %sign3A_10 = arith.constant 0 : i32
    %sign3A_11 = arith.cmpi slt, %jit3A, %sign3A_10 : i32
    %sign3A_12 = arith.extui %sign3A_11 : i1 to i32
    %sign3A_13 = arith.subi %sign3A_9, %sign3A_12 : i32
    %ne3A = arith.cmpi ne, %sign3A_6, %sign3A_13 : i32
    %rem3A = arith.remsi %add3A, %jit3A : i32
    %ne3A_14 = arith.constant 0 : i32
    %ne3A_15 = arith.cmpi ne, %rem3A, %ne3A_14 : i32
    %and3A = arith.andi %ne3A, %ne3A_15 : i1
    %sub3A = arith.constant 1 : i32
    %sub3A_16 = arith.subi %div3A, %sub3A : i32
    %select_n3A = arith.select %and3A, %sub3A_16, %div3A : i32
    %jit3A_17 = arith.constant 2 : i32
    %eq3A = arith.constant 0 : i32
    %eq3A_18 = arith.cmpi eq, %jit3A_17, %eq3A : i32
    %jit3A_19 = arith.constant 1 : i32
    %select_n3A_20 = arith.select %eq3A_18, %jit3A_19, %jit3A_17 : i32
    %rem3A_21 = arith.remsi %add3A, %select_n3A_20 : i32
    %ne3A_22 = arith.constant 0 : i32
    %ne3A_23 = arith.cmpi ne, %rem3A_21, %ne3A_22 : i32
    %lt3A = arith.constant 0 : i32
    %lt3A_24 = arith.cmpi slt, %rem3A_21, %lt3A : i32
    %lt3A_25 = arith.constant 0 : i32
    %lt3A_26 = arith.cmpi slt, %select_n3A_20, %lt3A_25 : i32
    %ne3A_27 = arith.xori %lt3A_24, %lt3A_26 : i1
    %and3A_28 = arith.andi %ne3A_27, %ne3A_23 : i1
    %add3A_29 = arith.addi %rem3A_21, %select_n3A_20 : i32
    %select_n3A_30 = arith.select %and3A_28, %add3A_29, %rem3A_21 : i32
    %jit3A_31 = arith.constant 8 : i32
    %div3A_32 = arith.divsi %select_n3A, %jit3A_31 : i32
    %sign3A_33 = arith.constant 0 : i32
    %sign3A_34 = arith.cmpi sgt, %select_n3A, %sign3A_33 : i32
    %sign3A_35 = arith.extui %sign3A_34 : i1 to i32
    %sign3A_36 = arith.constant 0 : i32
    %sign3A_37 = arith.cmpi slt, %select_n3A, %sign3A_36 : i32
    %sign3A_38 = arith.extui %sign3A_37 : i1 to i32
    %sign3A_39 = arith.subi %sign3A_35, %sign3A_38 : i32
    %sign3A_40 = arith.constant 0 : i32
    %sign3A_41 = arith.cmpi sgt, %jit3A_31, %sign3A_40 : i32
    %sign3A_42 = arith.extui %sign3A_41 : i1 to i32
    %sign3A_43 = arith.constant 0 : i32
    %sign3A_44 = arith.cmpi slt, %jit3A_31, %sign3A_43 : i32
    %sign3A_45 = arith.extui %sign3A_44 : i1 to i32
    %sign3A_46 = arith.subi %sign3A_42, %sign3A_45 : i32
    %ne3A_47 = arith.cmpi ne, %sign3A_39, %sign3A_46 : i32
    %rem3A_48 = arith.remsi %select_n3A, %jit3A_31 : i32
    %ne3A_49 = arith.constant 0 : i32
    %ne3A_50 = arith.cmpi ne, %rem3A_48, %ne3A_49 : i32
    %and3A_51 = arith.andi %ne3A_47, %ne3A_50 : i1
    %sub3A_52 = arith.constant 1 : i32
    %sub3A_53 = arith.subi %div3A_32, %sub3A_52 : i32
    %select_n3A_54 = arith.select %and3A_51, %sub3A_53, %div3A_32 : i32
    %jit3A_55 = arith.constant 8 : i32
    %eq3A_56 = arith.constant 0 : i32
    %eq3A_57 = arith.cmpi eq, %jit3A_55, %eq3A_56 : i32
    %jit3A_58 = arith.constant 1 : i32
    %select_n3A_59 = arith.select %eq3A_57, %jit3A_58, %jit3A_55 : i32
    %rem3A_60 = arith.remsi %select_n3A, %select_n3A_59 : i32
    %ne3A_61 = arith.constant 0 : i32
    %ne3A_62 = arith.cmpi ne, %rem3A_60, %ne3A_61 : i32
    %lt3A_63 = arith.constant 0 : i32
    %lt3A_64 = arith.cmpi slt, %rem3A_60, %lt3A_63 : i32
    %lt3A_65 = arith.constant 0 : i32
    %lt3A_66 = arith.cmpi slt, %select_n3A_59, %lt3A_65 : i32
    %ne3A_67 = arith.xori %lt3A_64, %lt3A_66 : i1
    %and3A_68 = arith.andi %ne3A_67, %ne3A_62 : i1
    %add3A_69 = arith.addi %rem3A_60, %select_n3A_59 : i32
    %select_n3A_70 = arith.select %and3A_68, %add3A_69, %rem3A_60 : i32
    %mul3A_71 = arith.constant 4 : i32
    %mul3A_72 = arith.muli %select_n3A_30, %mul3A_71 : i32
    "tpu.region"() ({
      %run_scoped3A = tpu.sem_alloc : memref<!tpu.dma_semaphore, #tpu.memory_space<semaphore_mem>>
      %dma_start3A_323 = arith.constant 0 : i32
      %dma_start3A_324 = tpu.memref_slice %arg2[%select_n3A_54, %select_n3A_70, %mul3A_72, %dma_start3A_323] : memref<2x8x8x128xi32, #tpu.memory_space<hbm>> -> memref<1x1x4x128xi32, #tpu.memory_space<hbm>>
      %dma_start3A_325 = tpu.memref_squeeze %dma_start3A_324 : memref<1x1x4x128xi32, #tpu.memory_space<hbm>> -> memref<4x128xi32, #tpu.memory_space<hbm>>
      %dma_start3A_326 = arith.constant 0 : i32
      %dma_start3A_327 = tpu.memref_slice %arg2[%select_n3A_54, %select_n3A_70, %mul3A_72, %dma_start3A_326] : memref<2x8x8x128xi32, #tpu.memory_space<hbm>> -> memref<1x1x4x128xi32, #tpu.memory_space<hbm>>
      %dma_start3A_328 = tpu.memref_squeeze %dma_start3A_327 : memref<1x1x4x128xi32, #tpu.memory_space<hbm>> -> memref<4x128xi32, #tpu.memory_space<hbm>>
      tpu.enqueue_dma source(%dma_start3A_328 : memref<4x128xi32, #tpu.memory_space<hbm>>) target(%arg5 : memref<4x128xi32, #tpu.memory_space<vmem>>) target_semaphore(%run_scoped3A : memref<!tpu.dma_semaphore, #tpu.memory_space<semaphore_mem>>)
      %dma_wait3A_329 = arith.constant 0 : i32
      %dma_wait3A_330 = tpu.memref_slice %arg2[%select_n3A_54, %select_n3A_70, %mul3A_72, %dma_wait3A_329] : memref<2x8x8x128xi32, #tpu.memory_space<hbm>> -> memref<1x1x4x128xi32, #tpu.memory_space<hbm>>
      %dma_wait3A_331 = tpu.memref_squeeze %dma_wait3A_330 : memref<1x1x4x128xi32, #tpu.memory_space<hbm>> -> memref<4x128xi32, #tpu.memory_space<hbm>>
      %dma_wait3A_332 = arith.constant 0 : i32
      %dma_wait3A_333 = tpu.memref_slice %arg2[%select_n3A_54, %select_n3A_70, %mul3A_72, %dma_wait3A_332] : memref<2x8x8x128xi32, #tpu.memory_space<hbm>> -> memref<1x1x4x128xi32, #tpu.memory_space<hbm>>
      %dma_wait3A_334 = tpu.memref_squeeze %dma_wait3A_333 : memref<1x1x4x128xi32, #tpu.memory_space<hbm>> -> memref<4x128xi32, #tpu.memory_space<hbm>>
      tpu.wait_dma2 semaphore(%run_scoped3A : memref<!tpu.dma_semaphore, #tpu.memory_space<semaphore_mem>>) src(%dma_wait3A_334 : memref<4x128xi32, #tpu.memory_space<hbm>>) dst(%arg5 : memref<4x128xi32, #tpu.memory_space<vmem>>)
      tpu.yield
    }) : () -> ()
    %dma_start3A = arith.constant 0 : i32
    %dma_start3A_73 = arith.constant 0 : i32
    %dma_start3A_74 = arith.constant 0 : i32
    %dma_start3A_75 = arith.constant 0 : i32
    %dma_start3A_76 = tpu.memref_slice %arg6[%dma_start3A_73, %dma_start3A_74, %dma_start3A_75] : memref<4x128x64xf32, #tpu.memory_space<vmem>> -> memref<1x128x64xf32, #tpu.memory_space<vmem>>
    %dma_start3A_77 = tpu.memref_squeeze %dma_start3A_76 : memref<1x128x64xf32, #tpu.memory_space<vmem>> -> memref<128x64xf32, #tpu.memory_space<vmem>>
    %dma_start3A_78 = arith.constant 0 : i32
    %dma_start3A_79 = tpu.memref_slice %arg5[%dma_start3A, %dma_start3A_78] : memref<4x128xi32, #tpu.memory_space<vmem>> -> memref<1x128xi32, #tpu.memory_space<vmem>>
    %dma_start3A_80 = tpu.memref_squeeze %dma_start3A_79 : memref<1x128xi32, #tpu.memory_space<vmem>> -> memref<128xi32, #tpu.memory_space<vmem>>
    %dma_start3A_81 = arith.constant 0 : i32
    %dma_start3A_82 = arith.constant 0 : i32
    %dma_start3A_83 = tpu.memref_slice %arg3[%dma_start3A_81, %dma_start3A_82] : memref<8192x64xf32, #tpu.memory_space<hbm>> -> memref<8192x64xf32, #tpu.memory_space<hbm>>
    tpu.enqueue_indirect_dma source(%dma_start3A_83 : memref<8192x64xf32, #tpu.memory_space<hbm>>) target(%dma_start3A_77 : memref<128x64xf32, #tpu.memory_space<vmem>>) offsets(%dma_start3A_80 : memref<128xi32, #tpu.memory_space<vmem>>) semaphore(%arg7 : memref<!tpu.dma_semaphore, #tpu.memory_space<semaphore_mem>>)
    %dma_start3A_84 = arith.constant 1 : i32
    %dma_start3A_85 = arith.constant 1 : i32
    %dma_start3A_86 = arith.constant 0 : i32
    %dma_start3A_87 = arith.constant 0 : i32
    %dma_start3A_88 = tpu.memref_slice %arg6[%dma_start3A_85, %dma_start3A_86, %dma_start3A_87] : memref<4x128x64xf32, #tpu.memory_space<vmem>> -> memref<1x128x64xf32, #tpu.memory_space<vmem>>
    %dma_start3A_89 = tpu.memref_squeeze %dma_start3A_88 : memref<1x128x64xf32, #tpu.memory_space<vmem>> -> memref<128x64xf32, #tpu.memory_space<vmem>>
    %dma_start3A_90 = arith.constant 0 : i32
    %dma_start3A_91 = tpu.memref_slice %arg5[%dma_start3A_84, %dma_start3A_90] : memref<4x128xi32, #tpu.memory_space<vmem>> -> memref<1x128xi32, #tpu.memory_space<vmem>>
    %dma_start3A_92 = tpu.memref_squeeze %dma_start3A_91 : memref<1x128xi32, #tpu.memory_space<vmem>> -> memref<128xi32, #tpu.memory_space<vmem>>
    %dma_start3A_93 = arith.constant 0 : i32
    %dma_start3A_94 = arith.constant 0 : i32
    %dma_start3A_95 = tpu.memref_slice %arg3[%dma_start3A_93, %dma_start3A_94] : memref<8192x64xf32, #tpu.memory_space<hbm>> -> memref<8192x64xf32, #tpu.memory_space<hbm>>
    tpu.enqueue_indirect_dma source(%dma_start3A_95 : memref<8192x64xf32, #tpu.memory_space<hbm>>) target(%dma_start3A_89 : memref<128x64xf32, #tpu.memory_space<vmem>>) offsets(%dma_start3A_92 : memref<128xi32, #tpu.memory_space<vmem>>) semaphore(%arg8 : memref<!tpu.dma_semaphore, #tpu.memory_space<semaphore_mem>>)
    %dma_start3A_96 = arith.constant 2 : i32
    %dma_start3A_97 = arith.constant 2 : i32
    %dma_start3A_98 = arith.constant 0 : i32
    %dma_start3A_99 = arith.constant 0 : i32
    %dma_start3A_100 = tpu.memref_slice %arg6[%dma_start3A_97, %dma_start3A_98, %dma_start3A_99] : memref<4x128x64xf32, #tpu.memory_space<vmem>> -> memref<1x128x64xf32, #tpu.memory_space<vmem>>
    %dma_start3A_101 = tpu.memref_squeeze %dma_start3A_100 : memref<1x128x64xf32, #tpu.memory_space<vmem>> -> memref<128x64xf32, #tpu.memory_space<vmem>>
    %dma_start3A_102 = arith.constant 0 : i32
    %dma_start3A_103 = tpu.memref_slice %arg5[%dma_start3A_96, %dma_start3A_102] : memref<4x128xi32, #tpu.memory_space<vmem>> -> memref<1x128xi32, #tpu.memory_space<vmem>>
    %dma_start3A_104 = tpu.memref_squeeze %dma_start3A_103 : memref<1x128xi32, #tpu.memory_space<vmem>> -> memref<128xi32, #tpu.memory_space<vmem>>
    %dma_start3A_105 = arith.constant 0 : i32
    %dma_start3A_106 = arith.constant 0 : i32
    %dma_start3A_107 = tpu.memref_slice %arg3[%dma_start3A_105, %dma_start3A_106] : memref<8192x64xf32, #tpu.memory_space<hbm>> -> memref<8192x64xf32, #tpu.memory_space<hbm>>
    tpu.enqueue_indirect_dma source(%dma_start3A_107 : memref<8192x64xf32, #tpu.memory_space<hbm>>) target(%dma_start3A_101 : memref<128x64xf32, #tpu.memory_space<vmem>>) offsets(%dma_start3A_104 : memref<128xi32, #tpu.memory_space<vmem>>) semaphore(%arg9 : memref<!tpu.dma_semaphore, #tpu.memory_space<semaphore_mem>>)
    %dma_start3A_108 = arith.constant 3 : i32
    %dma_start3A_109 = arith.constant 3 : i32
    %dma_start3A_110 = arith.constant 0 : i32
    %dma_start3A_111 = arith.constant 0 : i32
    %dma_start3A_112 = tpu.memref_slice %arg6[%dma_start3A_109, %dma_start3A_110, %dma_start3A_111] : memref<4x128x64xf32, #tpu.memory_space<vmem>> -> memref<1x128x64xf32, #tpu.memory_space<vmem>>
    %dma_start3A_113 = tpu.memref_squeeze %dma_start3A_112 : memref<1x128x64xf32, #tpu.memory_space<vmem>> -> memref<128x64xf32, #tpu.memory_space<vmem>>
    %dma_start3A_114 = arith.constant 0 : i32
    %dma_start3A_115 = tpu.memref_slice %arg5[%dma_start3A_108, %dma_start3A_114] : memref<4x128xi32, #tpu.memory_space<vmem>> -> memref<1x128xi32, #tpu.memory_space<vmem>>
    %dma_start3A_116 = tpu.memref_squeeze %dma_start3A_115 : memref<1x128xi32, #tpu.memory_space<vmem>> -> memref<128xi32, #tpu.memory_space<vmem>>
    %dma_start3A_117 = arith.constant 0 : i32
    %dma_start3A_118 = arith.constant 0 : i32
    %dma_start3A_119 = tpu.memref_slice %arg3[%dma_start3A_117, %dma_start3A_118] : memref<8192x64xf32, #tpu.memory_space<hbm>> -> memref<8192x64xf32, #tpu.memory_space<hbm>>
    tpu.enqueue_indirect_dma source(%dma_start3A_119 : memref<8192x64xf32, #tpu.memory_space<hbm>>) target(%dma_start3A_113 : memref<128x64xf32, #tpu.memory_space<vmem>>) offsets(%dma_start3A_116 : memref<128xi32, #tpu.memory_space<vmem>>) semaphore(%arg10 : memref<!tpu.dma_semaphore, #tpu.memory_space<semaphore_mem>>)
    %dma_wait3A = arith.constant 0 : i32
    %dma_wait3A_120 = arith.constant 0 : i32
    %dma_wait3A_121 = arith.constant 0 : i32
    %dma_wait3A_122 = arith.constant 0 : i32
    %dma_wait3A_123 = tpu.memref_slice %arg6[%dma_wait3A_120, %dma_wait3A_121, %dma_wait3A_122] : memref<4x128x64xf32, #tpu.memory_space<vmem>> -> memref<1x128x64xf32, #tpu.memory_space<vmem>>
    %dma_wait3A_124 = tpu.memref_squeeze %dma_wait3A_123 : memref<1x128x64xf32, #tpu.memory_space<vmem>> -> memref<128x64xf32, #tpu.memory_space<vmem>>
    %dma_wait3A_125 = arith.constant 0 : i32
    %dma_wait3A_126 = tpu.memref_slice %arg5[%dma_wait3A, %dma_wait3A_125] : memref<4x128xi32, #tpu.memory_space<vmem>> -> memref<1x128xi32, #tpu.memory_space<vmem>>
    %dma_wait3A_127 = tpu.memref_squeeze %dma_wait3A_126 : memref<1x128xi32, #tpu.memory_space<vmem>> -> memref<128xi32, #tpu.memory_space<vmem>>
    %dma_wait3A_128 = arith.constant 0 : i32
    %dma_wait3A_129 = arith.constant 0 : i32
    %dma_wait3A_130 = tpu.memref_slice %arg3[%dma_wait3A_128, %dma_wait3A_129] : memref<8192x64xf32, #tpu.memory_space<hbm>> -> memref<8192x64xf32, #tpu.memory_space<hbm>>
    tpu.wait_indirect_dma semaphore(%arg7 : memref<!tpu.dma_semaphore, #tpu.memory_space<semaphore_mem>>) src(%dma_wait3A_130 : memref<8192x64xf32, #tpu.memory_space<hbm>>) dst(%dma_wait3A_124 : memref<128x64xf32, #tpu.memory_space<vmem>>)
    %mul3A_131 = arith.constant 8 : i32
    %mul3A_132 = arith.muli %select_n3A_54, %mul3A_131 : i32
    %mul3A_133 = arith.constant 4 : i32
    %mul3A_134 = arith.muli %select_n3A_30, %mul3A_133 : i32
    %add3A_135 = arith.addi %mul3A_132, %mul3A_134 : i32
    %add3A_136 = arith.constant 0 : i32
    %add3A_137 = arith.addi %add3A_135, %add3A_136 : i32
    %mul3A_138 = arith.constant 128 : i32
    %mul3A_139 = arith.muli %select_n3A_70, %mul3A_138 : i32
    %dma_start3A_140 = arith.constant 0 : i32
    %dma_start3A_141 = arith.constant 0 : i32
    %dma_start3A_142 = arith.constant 0 : i32
    %dma_start3A_143 = tpu.memref_slice %arg6[%dma_start3A_140, %dma_start3A_141, %dma_start3A_142] : memref<4x128x64xf32, #tpu.memory_space<vmem>> -> memref<1x128x64xf32, #tpu.memory_space<vmem>>
    %dma_start3A_144 = tpu.memref_squeeze %dma_start3A_143 : memref<1x128x64xf32, #tpu.memory_space<vmem>> -> memref<128x64xf32, #tpu.memory_space<vmem>>
    %dma_start3A_145 = arith.constant 0 : i32
    %dma_start3A_146 = tpu.memref_slice %arg4[%add3A_137, %mul3A_139, %dma_start3A_145] : memref<16x1024x64xf32, #tpu.memory_space<hbm>> -> memref<1x128x64xf32, #tpu.memory_space<hbm>>
    %dma_start3A_147 = tpu.memref_squeeze %dma_start3A_146 : memref<1x128x64xf32, #tpu.memory_space<hbm>> -> memref<128x64xf32, #tpu.memory_space<hbm>>
    %dma_start3A_148 = arith.constant 0 : i32
    %dma_start3A_149 = tpu.memref_slice %arg4[%add3A_137, %mul3A_139, %dma_start3A_148] : memref<16x1024x64xf32, #tpu.memory_space<hbm>> -> memref<1x128x64xf32, #tpu.memory_space<hbm>>
    %dma_start3A_150 = tpu.memref_squeeze %dma_start3A_149 : memref<1x128x64xf32, #tpu.memory_space<hbm>> -> memref<128x64xf32, #tpu.memory_space<hbm>>
    %dma_start3A_151 = arith.constant 0 : i32
    %dma_start3A_152 = arith.constant 0 : i32
    %dma_start3A_153 = tpu.memref_slice %arg6[%dma_start3A_140, %dma_start3A_151, %dma_start3A_152] : memref<4x128x64xf32, #tpu.memory_space<vmem>> -> memref<1x128x64xf32, #tpu.memory_space<vmem>>
    %dma_start3A_154 = tpu.memref_squeeze %dma_start3A_153 : memref<1x128x64xf32, #tpu.memory_space<vmem>> -> memref<128x64xf32, #tpu.memory_space<vmem>>
    tpu.enqueue_dma source(%dma_start3A_154 : memref<128x64xf32, #tpu.memory_space<vmem>>) target(%dma_start3A_150 : memref<128x64xf32, #tpu.memory_space<hbm>>) target_semaphore(%arg11 : memref<!tpu.dma_semaphore, #tpu.memory_space<semaphore_mem>>)
    %dma_wait3A_155 = arith.constant 1 : i32
    %dma_wait3A_156 = arith.constant 1 : i32
    %dma_wait3A_157 = arith.constant 0 : i32
    %dma_wait3A_158 = arith.constant 0 : i32
    %dma_wait3A_159 = tpu.memref_slice %arg6[%dma_wait3A_156, %dma_wait3A_157, %dma_wait3A_158] : memref<4x128x64xf32, #tpu.memory_space<vmem>> -> memref<1x128x64xf32, #tpu.memory_space<vmem>>
    %dma_wait3A_160 = tpu.memref_squeeze %dma_wait3A_159 : memref<1x128x64xf32, #tpu.memory_space<vmem>> -> memref<128x64xf32, #tpu.memory_space<vmem>>
    %dma_wait3A_161 = arith.constant 0 : i32
    %dma_wait3A_162 = tpu.memref_slice %arg5[%dma_wait3A_155, %dma_wait3A_161] : memref<4x128xi32, #tpu.memory_space<vmem>> -> memref<1x128xi32, #tpu.memory_space<vmem>>
    %dma_wait3A_163 = tpu.memref_squeeze %dma_wait3A_162 : memref<1x128xi32, #tpu.memory_space<vmem>> -> memref<128xi32, #tpu.memory_space<vmem>>
    %dma_wait3A_164 = arith.constant 0 : i32
    %dma_wait3A_165 = arith.constant 0 : i32
    %dma_wait3A_166 = tpu.memref_slice %arg3[%dma_wait3A_164, %dma_wait3A_165] : memref<8192x64xf32, #tpu.memory_space<hbm>> -> memref<8192x64xf32, #tpu.memory_space<hbm>>
    tpu.wait_indirect_dma semaphore(%arg8 : memref<!tpu.dma_semaphore, #tpu.memory_space<semaphore_mem>>) src(%dma_wait3A_166 : memref<8192x64xf32, #tpu.memory_space<hbm>>) dst(%dma_wait3A_160 : memref<128x64xf32, #tpu.memory_space<vmem>>)
    %mul3A_167 = arith.constant 8 : i32
    %mul3A_168 = arith.muli %select_n3A_54, %mul3A_167 : i32
    %mul3A_169 = arith.constant 4 : i32
    %mul3A_170 = arith.muli %select_n3A_30, %mul3A_169 : i32
    %add3A_171 = arith.addi %mul3A_168, %mul3A_170 : i32
    %add3A_172 = arith.constant 1 : i32
    %add3A_173 = arith.addi %add3A_171, %add3A_172 : i32
    %mul3A_174 = arith.constant 128 : i32
    %mul3A_175 = arith.muli %select_n3A_70, %mul3A_174 : i32
    %dma_start3A_176 = arith.constant 1 : i32
    %dma_start3A_177 = arith.constant 0 : i32
    %dma_start3A_178 = arith.constant 0 : i32
    %dma_start3A_179 = tpu.memref_slice %arg6[%dma_start3A_176, %dma_start3A_177, %dma_start3A_178] : memref<4x128x64xf32, #tpu.memory_space<vmem>> -> memref<1x128x64xf32, #tpu.memory_space<vmem>>
    %dma_start3A_180 = tpu.memref_squeeze %dma_start3A_179 : memref<1x128x64xf32, #tpu.memory_space<vmem>> -> memref<128x64xf32, #tpu.memory_space<vmem>>
    %dma_start3A_181 = arith.constant 0 : i32
    %dma_start3A_182 = tpu.memref_slice %arg4[%add3A_173, %mul3A_175, %dma_start3A_181] : memref<16x1024x64xf32, #tpu.memory_space<hbm>> -> memref<1x128x64xf32, #tpu.memory_space<hbm>>
    %dma_start3A_183 = tpu.memref_squeeze %dma_start3A_182 : memref<1x128x64xf32, #tpu.memory_space<hbm>> -> memref<128x64xf32, #tpu.memory_space<hbm>>
    %dma_start3A_184 = arith.constant 0 : i32
    %dma_start3A_185 = tpu.memref_slice %arg4[%add3A_173, %mul3A_175, %dma_start3A_184] : memref<16x1024x64xf32, #tpu.memory_space<hbm>> -> memref<1x128x64xf32, #tpu.memory_space<hbm>>
    %dma_start3A_186 = tpu.memref_squeeze %dma_start3A_185 : memref<1x128x64xf32, #tpu.memory_space<hbm>> -> memref<128x64xf32, #tpu.memory_space<hbm>>
    %dma_start3A_187 = arith.constant 0 : i32
    %dma_start3A_188 = arith.constant 0 : i32
    %dma_start3A_189 = tpu.memref_slice %arg6[%dma_start3A_176, %dma_start3A_187, %dma_start3A_188] : memref<4x128x64xf32, #tpu.memory_space<vmem>> -> memref<1x128x64xf32, #tpu.memory_space<vmem>>
    %dma_start3A_190 = tpu.memref_squeeze %dma_start3A_189 : memref<1x128x64xf32, #tpu.memory_space<vmem>> -> memref<128x64xf32, #tpu.memory_space<vmem>>
    tpu.enqueue_dma source(%dma_start3A_190 : memref<128x64xf32, #tpu.memory_space<vmem>>) target(%dma_start3A_186 : memref<128x64xf32, #tpu.memory_space<hbm>>) target_semaphore(%arg12 : memref<!tpu.dma_semaphore, #tpu.memory_space<semaphore_mem>>)
    %dma_wait3A_191 = arith.constant 2 : i32
    %dma_wait3A_192 = arith.constant 2 : i32
    %dma_wait3A_193 = arith.constant 0 : i32
    %dma_wait3A_194 = arith.constant 0 : i32
    %dma_wait3A_195 = tpu.memref_slice %arg6[%dma_wait3A_192, %dma_wait3A_193, %dma_wait3A_194] : memref<4x128x64xf32, #tpu.memory_space<vmem>> -> memref<1x128x64xf32, #tpu.memory_space<vmem>>
    %dma_wait3A_196 = tpu.memref_squeeze %dma_wait3A_195 : memref<1x128x64xf32, #tpu.memory_space<vmem>> -> memref<128x64xf32, #tpu.memory_space<vmem>>
    %dma_wait3A_197 = arith.constant 0 : i32
    %dma_wait3A_198 = tpu.memref_slice %arg5[%dma_wait3A_191, %dma_wait3A_197] : memref<4x128xi32, #tpu.memory_space<vmem>> -> memref<1x128xi32, #tpu.memory_space<vmem>>
    %dma_wait3A_199 = tpu.memref_squeeze %dma_wait3A_198 : memref<1x128xi32, #tpu.memory_space<vmem>> -> memref<128xi32, #tpu.memory_space<vmem>>
    %dma_wait3A_200 = arith.constant 0 : i32
    %dma_wait3A_201 = arith.constant 0 : i32
    %dma_wait3A_202 = tpu.memref_slice %arg3[%dma_wait3A_200, %dma_wait3A_201] : memref<8192x64xf32, #tpu.memory_space<hbm>> -> memref<8192x64xf32, #tpu.memory_space<hbm>>
    tpu.wait_indirect_dma semaphore(%arg9 : memref<!tpu.dma_semaphore, #tpu.memory_space<semaphore_mem>>) src(%dma_wait3A_202 : memref<8192x64xf32, #tpu.memory_space<hbm>>) dst(%dma_wait3A_196 : memref<128x64xf32, #tpu.memory_space<vmem>>)
    %mul3A_203 = arith.constant 8 : i32
    %mul3A_204 = arith.muli %select_n3A_54, %mul3A_203 : i32
    %mul3A_205 = arith.constant 4 : i32
    %mul3A_206 = arith.muli %select_n3A_30, %mul3A_205 : i32
    %add3A_207 = arith.addi %mul3A_204, %mul3A_206 : i32
    %add3A_208 = arith.constant 2 : i32
    %add3A_209 = arith.addi %add3A_207, %add3A_208 : i32
    %mul3A_210 = arith.constant 128 : i32
    %mul3A_211 = arith.muli %select_n3A_70, %mul3A_210 : i32
    %dma_start3A_212 = arith.constant 2 : i32
    %dma_start3A_213 = arith.constant 0 : i32
    %dma_start3A_214 = arith.constant 0 : i32
    %dma_start3A_215 = tpu.memref_slice %arg6[%dma_start3A_212, %dma_start3A_213, %dma_start3A_214] : memref<4x128x64xf32, #tpu.memory_space<vmem>> -> memref<1x128x64xf32, #tpu.memory_space<vmem>>
    %dma_start3A_216 = tpu.memref_squeeze %dma_start3A_215 : memref<1x128x64xf32, #tpu.memory_space<vmem>> -> memref<128x64xf32, #tpu.memory_space<vmem>>
    %dma_start3A_217 = arith.constant 0 : i32
    %dma_start3A_218 = tpu.memref_slice %arg4[%add3A_209, %mul3A_211, %dma_start3A_217] : memref<16x1024x64xf32, #tpu.memory_space<hbm>> -> memref<1x128x64xf32, #tpu.memory_space<hbm>>
    %dma_start3A_219 = tpu.memref_squeeze %dma_start3A_218 : memref<1x128x64xf32, #tpu.memory_space<hbm>> -> memref<128x64xf32, #tpu.memory_space<hbm>>
    %dma_start3A_220 = arith.constant 0 : i32
    %dma_start3A_221 = tpu.memref_slice %arg4[%add3A_209, %mul3A_211, %dma_start3A_220] : memref<16x1024x64xf32, #tpu.memory_space<hbm>> -> memref<1x128x64xf32, #tpu.memory_space<hbm>>
    %dma_start3A_222 = tpu.memref_squeeze %dma_start3A_221 : memref<1x128x64xf32, #tpu.memory_space<hbm>> -> memref<128x64xf32, #tpu.memory_space<hbm>>
    %dma_start3A_223 = arith.constant 0 : i32
    %dma_start3A_224 = arith.constant 0 : i32
    %dma_start3A_225 = tpu.memref_slice %arg6[%dma_start3A_212, %dma_start3A_223, %dma_start3A_224] : memref<4x128x64xf32, #tpu.memory_space<vmem>> -> memref<1x128x64xf32, #tpu.memory_space<vmem>>
    %dma_start3A_226 = tpu.memref_squeeze %dma_start3A_225 : memref<1x128x64xf32, #tpu.memory_space<vmem>> -> memref<128x64xf32, #tpu.memory_space<vmem>>
    tpu.enqueue_dma source(%dma_start3A_226 : memref<128x64xf32, #tpu.memory_space<vmem>>) target(%dma_start3A_222 : memref<128x64xf32, #tpu.memory_space<hbm>>) target_semaphore(%arg13 : memref<!tpu.dma_semaphore, #tpu.memory_space<semaphore_mem>>)
    %dma_wait3A_227 = arith.constant 3 : i32
    %dma_wait3A_228 = arith.constant 3 : i32
    %dma_wait3A_229 = arith.constant 0 : i32
    %dma_wait3A_230 = arith.constant 0 : i32
    %dma_wait3A_231 = tpu.memref_slice %arg6[%dma_wait3A_228, %dma_wait3A_229, %dma_wait3A_230] : memref<4x128x64xf32, #tpu.memory_space<vmem>> -> memref<1x128x64xf32, #tpu.memory_space<vmem>>
    %dma_wait3A_232 = tpu.memref_squeeze %dma_wait3A_231 : memref<1x128x64xf32, #tpu.memory_space<vmem>> -> memref<128x64xf32, #tpu.memory_space<vmem>>
    %dma_wait3A_233 = arith.constant 0 : i32
    %dma_wait3A_234 = tpu.memref_slice %arg5[%dma_wait3A_227, %dma_wait3A_233] : memref<4x128xi32, #tpu.memory_space<vmem>> -> memref<1x128xi32, #tpu.memory_space<vmem>>
    %dma_wait3A_235 = tpu.memref_squeeze %dma_wait3A_234 : memref<1x128xi32, #tpu.memory_space<vmem>> -> memref<128xi32, #tpu.memory_space<vmem>>
    %dma_wait3A_236 = arith.constant 0 : i32
    %dma_wait3A_237 = arith.constant 0 : i32
    %dma_wait3A_238 = tpu.memref_slice %arg3[%dma_wait3A_236, %dma_wait3A_237] : memref<8192x64xf32, #tpu.memory_space<hbm>> -> memref<8192x64xf32, #tpu.memory_space<hbm>>
    tpu.wait_indirect_dma semaphore(%arg10 : memref<!tpu.dma_semaphore, #tpu.memory_space<semaphore_mem>>) src(%dma_wait3A_238 : memref<8192x64xf32, #tpu.memory_space<hbm>>) dst(%dma_wait3A_232 : memref<128x64xf32, #tpu.memory_space<vmem>>)
    %mul3A_239 = arith.constant 8 : i32
    %mul3A_240 = arith.muli %select_n3A_54, %mul3A_239 : i32
    %mul3A_241 = arith.constant 4 : i32
    %mul3A_242 = arith.muli %select_n3A_30, %mul3A_241 : i32
    %add3A_243 = arith.addi %mul3A_240, %mul3A_242 : i32
    %add3A_244 = arith.constant 3 : i32
    %add3A_245 = arith.addi %add3A_243, %add3A_244 : i32
    %mul3A_246 = arith.constant 128 : i32
    %mul3A_247 = arith.muli %select_n3A_70, %mul3A_246 : i32
    %dma_start3A_248 = arith.constant 3 : i32
    %dma_start3A_249 = arith.constant 0 : i32
    %dma_start3A_250 = arith.constant 0 : i32
    %dma_start3A_251 = tpu.memref_slice %arg6[%dma_start3A_248, %dma_start3A_249, %dma_start3A_250] : memref<4x128x64xf32, #tpu.memory_space<vmem>> -> memref<1x128x64xf32, #tpu.memory_space<vmem>>
    %dma_start3A_252 = tpu.memref_squeeze %dma_start3A_251 : memref<1x128x64xf32, #tpu.memory_space<vmem>> -> memref<128x64xf32, #tpu.memory_space<vmem>>
    %dma_start3A_253 = arith.constant 0 : i32
    %dma_start3A_254 = tpu.memref_slice %arg4[%add3A_245, %mul3A_247, %dma_start3A_253] : memref<16x1024x64xf32, #tpu.memory_space<hbm>> -> memref<1x128x64xf32, #tpu.memory_space<hbm>>
    %dma_start3A_255 = tpu.memref_squeeze %dma_start3A_254 : memref<1x128x64xf32, #tpu.memory_space<hbm>> -> memref<128x64xf32, #tpu.memory_space<hbm>>
    %dma_start3A_256 = arith.constant 0 : i32
    %dma_start3A_257 = tpu.memref_slice %arg4[%add3A_245, %mul3A_247, %dma_start3A_256] : memref<16x1024x64xf32, #tpu.memory_space<hbm>> -> memref<1x128x64xf32, #tpu.memory_space<hbm>>
    %dma_start3A_258 = tpu.memref_squeeze %dma_start3A_257 : memref<1x128x64xf32, #tpu.memory_space<hbm>> -> memref<128x64xf32, #tpu.memory_space<hbm>>
    %dma_start3A_259 = arith.constant 0 : i32
    %dma_start3A_260 = arith.constant 0 : i32
    %dma_start3A_261 = tpu.memref_slice %arg6[%dma_start3A_248, %dma_start3A_259, %dma_start3A_260] : memref<4x128x64xf32, #tpu.memory_space<vmem>> -> memref<1x128x64xf32, #tpu.memory_space<vmem>>
    %dma_start3A_262 = tpu.memref_squeeze %dma_start3A_261 : memref<1x128x64xf32, #tpu.memory_space<vmem>> -> memref<128x64xf32, #tpu.memory_space<vmem>>
    tpu.enqueue_dma source(%dma_start3A_262 : memref<128x64xf32, #tpu.memory_space<vmem>>) target(%dma_start3A_258 : memref<128x64xf32, #tpu.memory_space<hbm>>) target_semaphore(%arg14 : memref<!tpu.dma_semaphore, #tpu.memory_space<semaphore_mem>>)
    %dma_wait3A_263 = arith.constant 0 : i32
    %dma_wait3A_264 = arith.constant 0 : i32
    %dma_wait3A_265 = arith.constant 0 : i32
    %dma_wait3A_266 = tpu.memref_slice %arg6[%dma_wait3A_263, %dma_wait3A_264, %dma_wait3A_265] : memref<4x128x64xf32, #tpu.memory_space<vmem>> -> memref<1x128x64xf32, #tpu.memory_space<vmem>>
    %dma_wait3A_267 = tpu.memref_squeeze %dma_wait3A_266 : memref<1x128x64xf32, #tpu.memory_space<vmem>> -> memref<128x64xf32, #tpu.memory_space<vmem>>
    %dma_wait3A_268 = arith.constant 0 : i32
    %dma_wait3A_269 = tpu.memref_slice %arg4[%add3A_137, %mul3A_139, %dma_wait3A_268] : memref<16x1024x64xf32, #tpu.memory_space<hbm>> -> memref<1x128x64xf32, #tpu.memory_space<hbm>>
    %dma_wait3A_270 = tpu.memref_squeeze %dma_wait3A_269 : memref<1x128x64xf32, #tpu.memory_space<hbm>> -> memref<128x64xf32, #tpu.memory_space<hbm>>
    %dma_wait3A_271 = arith.constant 0 : i32
    %dma_wait3A_272 = tpu.memref_slice %arg4[%add3A_137, %mul3A_139, %dma_wait3A_271] : memref<16x1024x64xf32, #tpu.memory_space<hbm>> -> memref<1x128x64xf32, #tpu.memory_space<hbm>>
    %dma_wait3A_273 = tpu.memref_squeeze %dma_wait3A_272 : memref<1x128x64xf32, #tpu.memory_space<hbm>> -> memref<128x64xf32, #tpu.memory_space<hbm>>
    %dma_wait3A_274 = arith.constant 0 : i32
    %dma_wait3A_275 = arith.constant 0 : i32
    %dma_wait3A_276 = tpu.memref_slice %arg6[%dma_wait3A_263, %dma_wait3A_274, %dma_wait3A_275] : memref<4x128x64xf32, #tpu.memory_space<vmem>> -> memref<1x128x64xf32, #tpu.memory_space<vmem>>
    %dma_wait3A_277 = tpu.memref_squeeze %dma_wait3A_276 : memref<1x128x64xf32, #tpu.memory_space<vmem>> -> memref<128x64xf32, #tpu.memory_space<vmem>>
    tpu.wait_dma2 semaphore(%arg11 : memref<!tpu.dma_semaphore, #tpu.memory_space<semaphore_mem>>) src(%dma_wait3A_277 : memref<128x64xf32, #tpu.memory_space<vmem>>) dst(%dma_wait3A_273 : memref<128x64xf32, #tpu.memory_space<hbm>>)
    %dma_wait3A_278 = arith.constant 1 : i32
    %dma_wait3A_279 = arith.constant 0 : i32
    %dma_wait3A_280 = arith.constant 0 : i32
    %dma_wait3A_281 = tpu.memref_slice %arg6[%dma_wait3A_278, %dma_wait3A_279, %dma_wait3A_280] : memref<4x128x64xf32, #tpu.memory_space<vmem>> -> memref<1x128x64xf32, #tpu.memory_space<vmem>>
    %dma_wait3A_282 = tpu.memref_squeeze %dma_wait3A_281 : memref<1x128x64xf32, #tpu.memory_space<vmem>> -> memref<128x64xf32, #tpu.memory_space<vmem>>
    %dma_wait3A_283 = arith.constant 0 : i32
    %dma_wait3A_284 = tpu.memref_slice %arg4[%add3A_173, %mul3A_175, %dma_wait3A_283] : memref<16x1024x64xf32, #tpu.memory_space<hbm>> -> memref<1x128x64xf32, #tpu.memory_space<hbm>>
    %dma_wait3A_285 = tpu.memref_squeeze %dma_wait3A_284 : memref<1x128x64xf32, #tpu.memory_space<hbm>> -> memref<128x64xf32, #tpu.memory_space<hbm>>
    %dma_wait3A_286 = arith.constant 0 : i32
    %dma_wait3A_287 = tpu.memref_slice %arg4[%add3A_173, %mul3A_175, %dma_wait3A_286] : memref<16x1024x64xf32, #tpu.memory_space<hbm>> -> memref<1x128x64xf32, #tpu.memory_space<hbm>>
    %dma_wait3A_288 = tpu.memref_squeeze %dma_wait3A_287 : memref<1x128x64xf32, #tpu.memory_space<hbm>> -> memref<128x64xf32, #tpu.memory_space<hbm>>
    %dma_wait3A_289 = arith.constant 0 : i32
    %dma_wait3A_290 = arith.constant 0 : i32
    %dma_wait3A_291 = tpu.memref_slice %arg6[%dma_wait3A_278, %dma_wait3A_289, %dma_wait3A_290] : memref<4x128x64xf32, #tpu.memory_space<vmem>> -> memref<1x128x64xf32, #tpu.memory_space<vmem>>
    %dma_wait3A_292 = tpu.memref_squeeze %dma_wait3A_291 : memref<1x128x64xf32, #tpu.memory_space<vmem>> -> memref<128x64xf32, #tpu.memory_space<vmem>>
    tpu.wait_dma2 semaphore(%arg12 : memref<!tpu.dma_semaphore, #tpu.memory_space<semaphore_mem>>) src(%dma_wait3A_292 : memref<128x64xf32, #tpu.memory_space<vmem>>) dst(%dma_wait3A_288 : memref<128x64xf32, #tpu.memory_space<hbm>>)
    %dma_wait3A_293 = arith.constant 2 : i32
    %dma_wait3A_294 = arith.constant 0 : i32
    %dma_wait3A_295 = arith.constant 0 : i32
    %dma_wait3A_296 = tpu.memref_slice %arg6[%dma_wait3A_293, %dma_wait3A_294, %dma_wait3A_295] : memref<4x128x64xf32, #tpu.memory_space<vmem>> -> memref<1x128x64xf32, #tpu.memory_space<vmem>>
    %dma_wait3A_297 = tpu.memref_squeeze %dma_wait3A_296 : memref<1x128x64xf32, #tpu.memory_space<vmem>> -> memref<128x64xf32, #tpu.memory_space<vmem>>
    %dma_wait3A_298 = arith.constant 0 : i32
    %dma_wait3A_299 = tpu.memref_slice %arg4[%add3A_209, %mul3A_211, %dma_wait3A_298] : memref<16x1024x64xf32, #tpu.memory_space<hbm>> -> memref<1x128x64xf32, #tpu.memory_space<hbm>>
    %dma_wait3A_300 = tpu.memref_squeeze %dma_wait3A_299 : memref<1x128x64xf32, #tpu.memory_space<hbm>> -> memref<128x64xf32, #tpu.memory_space<hbm>>
    %dma_wait3A_301 = arith.constant 0 : i32
    %dma_wait3A_302 = tpu.memref_slice %arg4[%add3A_209, %mul3A_211, %dma_wait3A_301] : memref<16x1024x64xf32, #tpu.memory_space<hbm>> -> memref<1x128x64xf32, #tpu.memory_space<hbm>>
    %dma_wait3A_303 = tpu.memref_squeeze %dma_wait3A_302 : memref<1x128x64xf32, #tpu.memory_space<hbm>> -> memref<128x64xf32, #tpu.memory_space<hbm>>
    %dma_wait3A_304 = arith.constant 0 : i32
    %dma_wait3A_305 = arith.constant 0 : i32
    %dma_wait3A_306 = tpu.memref_slice %arg6[%dma_wait3A_293, %dma_wait3A_304, %dma_wait3A_305] : memref<4x128x64xf32, #tpu.memory_space<vmem>> -> memref<1x128x64xf32, #tpu.memory_space<vmem>>
    %dma_wait3A_307 = tpu.memref_squeeze %dma_wait3A_306 : memref<1x128x64xf32, #tpu.memory_space<vmem>> -> memref<128x64xf32, #tpu.memory_space<vmem>>
    tpu.wait_dma2 semaphore(%arg13 : memref<!tpu.dma_semaphore, #tpu.memory_space<semaphore_mem>>) src(%dma_wait3A_307 : memref<128x64xf32, #tpu.memory_space<vmem>>) dst(%dma_wait3A_303 : memref<128x64xf32, #tpu.memory_space<hbm>>)
    %dma_wait3A_308 = arith.constant 3 : i32
    %dma_wait3A_309 = arith.constant 0 : i32
    %dma_wait3A_310 = arith.constant 0 : i32
    %dma_wait3A_311 = tpu.memref_slice %arg6[%dma_wait3A_308, %dma_wait3A_309, %dma_wait3A_310] : memref<4x128x64xf32, #tpu.memory_space<vmem>> -> memref<1x128x64xf32, #tpu.memory_space<vmem>>
    %dma_wait3A_312 = tpu.memref_squeeze %dma_wait3A_311 : memref<1x128x64xf32, #tpu.memory_space<vmem>> -> memref<128x64xf32, #tpu.memory_space<vmem>>
    %dma_wait3A_313 = arith.constant 0 : i32
    %dma_wait3A_314 = tpu.memref_slice %arg4[%add3A_245, %mul3A_247, %dma_wait3A_313] : memref<16x1024x64xf32, #tpu.memory_space<hbm>> -> memref<1x128x64xf32, #tpu.memory_space<hbm>>
    %dma_wait3A_315 = tpu.memref_squeeze %dma_wait3A_314 : memref<1x128x64xf32, #tpu.memory_space<hbm>> -> memref<128x64xf32, #tpu.memory_space<hbm>>
    %dma_wait3A_316 = arith.constant 0 : i32
    %dma_wait3A_317 = tpu.memref_slice %arg4[%add3A_245, %mul3A_247, %dma_wait3A_316] : memref<16x1024x64xf32, #tpu.memory_space<hbm>> -> memref<1x128x64xf32, #tpu.memory_space<hbm>>
    %dma_wait3A_318 = tpu.memref_squeeze %dma_wait3A_317 : memref<1x128x64xf32, #tpu.memory_space<hbm>> -> memref<128x64xf32, #tpu.memory_space<hbm>>
    %dma_wait3A_319 = arith.constant 0 : i32
    %dma_wait3A_320 = arith.constant 0 : i32
    %dma_wait3A_321 = tpu.memref_slice %arg6[%dma_wait3A_308, %dma_wait3A_319, %dma_wait3A_320] : memref<4x128x64xf32, #tpu.memory_space<vmem>> -> memref<1x128x64xf32, #tpu.memory_space<vmem>>
    %dma_wait3A_322 = tpu.memref_squeeze %dma_wait3A_321 : memref<1x128x64xf32, #tpu.memory_space<vmem>> -> memref<128x64xf32, #tpu.memory_space<vmem>>
    tpu.wait_dma2 semaphore(%arg14 : memref<!tpu.dma_semaphore, #tpu.memory_space<semaphore_mem>>) src(%dma_wait3A_322 : memref<128x64xf32, #tpu.memory_space<vmem>>) dst(%dma_wait3A_318 : memref<128x64xf32, #tpu.memory_space<hbm>>)
    return
  }
}

module attributes {stable_mosaic.version = 14 : i64} {
  func.func @_retile_body(%arg0: i32, %arg1: memref<262144xf32, #tpu.memory_space<vmem>>, %arg2: memref<4x64x1024xf32, #tpu.memory_space<vmem>>) attributes {dimension_semantics = [#tpu.dimension_semantics<arbitrary>], iteration_bounds = array<i64: 4>, scalar_prefetch = 0 : i64, scratch_operands = 0 : i64, tpu.core_type = #tpu.core_type<tc>, window_params = [{transform_indices = @transform_0, window_bounds = array<i64: 262144>}, {transform_indices = @transform_1, window_bounds = array<i64: 4, 64, 1024>}]} {
    %get3A = arith.constant 0 : index
    %get3A_0 = vector.load %arg1[%get3A] : memref<262144xf32, #tpu.memory_space<vmem>>, vector<262144xf32>
    %reshape3A = vector.shape_cast %get3A_0 : vector<262144xf32> to vector<4x512x128xf32>
    %slice3A = vector.extract_strided_slice %reshape3A {offsets = [0, 0, 0], sizes = [4, 512, 64], strides = [1, 1, 1]} : vector<4x512x128xf32> to vector<4x512x64xf32>
    %slice3A_1 = vector.extract_strided_slice %reshape3A {offsets = [0, 0, 64], sizes = [4, 512, 64], strides = [1, 1, 1]} : vector<4x512x128xf32> to vector<4x512x64xf32>
    %iota3A = tpu.iota {dimensions = array<i32: 0>} : vector<512x1024xi32>
    %iota3A_2 = tpu.iota {dimensions = array<i32: 1>} : vector<512x1024xi32>
    %mul3A = arith.constant 2 : i32
    %mul3A_3 = vector.broadcast %mul3A : i32 to vector<512x1024xi32>
    %mul3A_4 = arith.muli %mul3A_3, %iota3A : vector<512x1024xi32>
    %eq3A = arith.cmpi eq, %iota3A_2, %mul3A_4 : vector<512x1024xi32>
    %convert_element_type3A = arith.extui %eq3A : vector<512x1024xi1> to vector<512x1024xi32>
    %convert_element_type3A_5 = arith.sitofp %convert_element_type3A : vector<512x1024xi32> to vector<512x1024xf32>
    %mul3A_6 = arith.constant 2 : i32
    %mul3A_7 = vector.broadcast %mul3A_6 : i32 to vector<512x1024xi32>
    %mul3A_8 = arith.muli %mul3A_7, %iota3A : vector<512x1024xi32>
    %add3A = arith.constant 1 : i32
    %add3A_9 = vector.broadcast %add3A : i32 to vector<512x1024xi32>
    %add3A_10 = arith.addi %mul3A_8, %add3A_9 : vector<512x1024xi32>
    %eq3A_11 = arith.cmpi eq, %iota3A_2, %add3A_10 : vector<512x1024xi32>
    %convert_element_type3A_12 = arith.extui %eq3A_11 : vector<512x1024xi1> to vector<512x1024xi32>
    %convert_element_type3A_13 = arith.sitofp %convert_element_type3A_12 : vector<512x1024xi32> to vector<512x1024xf32>
    %dot_general3A = arith.constant dense<0.000000e+00> : vector<4x64x1024xf32>
    %dot_general3A_14 = tpu.matmul %slice3A, %convert_element_type3A_5, %dot_general3A {dimension_numbers = #tpu.dot_dimension_numbers<[1], [0], [0, 2], [1], [0, 0, 0, 2, 1, 1], [], []>, transpose_lhs_hint = false} : vector<4x512x64xf32>, vector<512x1024xf32>, vector<4x64x1024xf32> -> vector<4x64x1024xf32>
    %dot_general3A_15 = arith.constant dense<0.000000e+00> : vector<4x64x1024xf32>
    %dot_general3A_16 = tpu.matmul %slice3A_1, %convert_element_type3A_13, %dot_general3A_15 {dimension_numbers = #tpu.dot_dimension_numbers<[1], [0], [0, 2], [1], [0, 0, 0, 2, 1, 1], [], []>, transpose_lhs_hint = false} : vector<4x512x64xf32>, vector<512x1024xf32>, vector<4x64x1024xf32> -> vector<4x64x1024xf32>
    %add3A_17 = arith.addf %dot_general3A_14, %dot_general3A_16 : vector<4x64x1024xf32>
    %swap3A = arith.constant 0 : index
    %swap3A_18 = arith.constant 0 : index
    %swap3A_19 = arith.constant 0 : index
    %swap3A_20 = vector.load %arg2[%swap3A, %swap3A_18, %swap3A_19] : memref<4x64x1024xf32, #tpu.memory_space<vmem>>, vector<4x64x1024xf32>
    tpu.vector_store %arg2[%swap3A, %swap3A_18, %swap3A_19], %add3A_17 {strides = array<i32>} : memref<4x64x1024xf32, #tpu.memory_space<vmem>>, vector<4x64x1024xf32>,
    return
  }
  func.func @transform_0(%arg0: i32) -> i32 {
    %c0_i32 = arith.constant 0 : i32
    return %arg0 : i32
  }
  func.func @transform_1(%arg0: i32) -> (i32, i32, i32) {
    %c0_i32 = arith.constant 0 : i32
    %c0_i32_0 = arith.constant 0 : i32
    %c0_i32_1 = arith.constant 0 : i32
    return %arg0, %c0_i32, %c0_i32_0 : i32, i32, i32
  }
}

</mosaic_0001>

<sc_bundles>
// kernel: kernel.4.cloned.1.call-start
scs
__scs_entry_jumppad:
0x0: {  	(pc) =	sbr.rel $0x88, $3  }
0x1: {  	(tag) =	ssettag $0x0;
	lr =	simm.s32 $0x1  }
0x2: {  	[smem:$0x3F9F] =	sst lr;
	_ =	strace $0xD0000000  }
0x3: {  	_ = 	snop  }
0x4: {  	_ = 	snop  }
0x5: {  	_ = 	snop  }
0x6: {  	_ = 	snop  }
0x7: {  	_ = 	snop  }
__scs_overlays_trampoline_lowered:
0x8: {  	[smem:$0x3FAE] =	sst s0  }
0x9: {  	[smem:$0x3FAF] =	sst s1  }
0xa: {  	[smem:$0x3FB0] =	sst s2  }
0xb: {  	[smem:$0x3FB1] =	sst s3  }
0xc: {  	[smem:$0x3FB2] =	sst s4  }
0xd: {  	[smem:$0x3FB3] =	sst s5  }
0xe: {  	[smem:$0x3FB4] =	sst s6  }
0xf: {  	[smem:$0x3FB5] =	sst s7  }
0x10: {  	[smem:$0x3FB6] =	sst s8  }
0x11: {  	[smem:$0x3FB7] =	sst s9;
	s0 =	simm.s32 @!p0 $0x0  }
0x12: {  	s1 =	sld [smem:$0x3F9D];
	s0 =	simm.s32 @p0 $0x1  }
0x13: {  	[smem:$0x3FB8] =	sst s0;
	s0 =	simm.s32 @!p1 $0x0  }
0x14: {  	s2 =	sld [smem:$0x3F9C];
	s0 =	simm.s32 @p1 $0x1  }
0x15: {  	[smem:$0x3FB9] =	sst s0;
	s0 =	simm.s32 @!p2 $0x0  }
0x16: {  	s3 =	sld [smem:$0x3FDB];
	s0 =	simm.s32 @p2 $0x1  }
0x17: {  	s4 =	simm.s32 $0x1BF5;
	[smem:$0x3FBB] =	sst s0  }
0x18: {  	s0 =	sld [smem:$0x3F9E];
	_ =	swait.ge [sflag:s4], $0x0  }
0x19: {  	s7 =	sld [smem:$0x3F9F]  }
0x1a: {  	s8 =	sadd.s32 $0xFFFFE003, lr  }
0x1b: {  	s9 =	sadd.s32 $0xFFFFFEF7, lr;
	s5 =	simm.s32 $0xFFFFFFFF;
	p2 =	slt.u32 s8, $0xFFFFF086  }
0x1c: {  	p1 =	slt.u32 s9, $0xF7A;
	s5 =	simm.s32 @!p2 $0x0  }
0x1d: {  	s5 =	simm.s32 @p1 $0x1;
	p0 =	seq.s32 s7, s2  }
0x1e: {  	s7 =	smul.u32 @!p0 $0xF7A, s2;
	p2 =	seq.s32 @!p0 s5, $0x0  }
0x1f: {  	s9 =	smul.u32 $0xF7A, s1;
	s8 =	simm.s32 @!p0 $0x1BF5;
	p2 =	por !p2, p0  }
0x20: {  	[sflag:s8] =	ssyncset.s32 @!p0 $0xFFFFF086;
	s6 =	sadd.s32 @!p0 s3, s7;
	s7 =	simm.s32 @!p0 $0x108  }
0x21: {  	s3 =	sadd.s32 s3, s9;
	s6 =	sadd.s32 @!p0 $0x88, s6;
	s7 =	simm.s32 @p2 $0x1082  }
0x22: {  	[simem:s7], [sflag:s8] =	dma.local @!p0 [hbm:s6], $0xF7A  }
0x23: {  	s9 =	sor.u32 $0xD0000000, s2;
	s6 =	simm.s32 $0x108;
	_ =	swait.ge @!p0 [sflag:s8], $0x0  }
0x24: {  	s3 =	sadd.s32 $0x88, s3;
	s6 =	simm.s32 @!p1 $0x1082;
	[sflag:s4] =	ssyncset.s32 $0xFFFFF086  }
0x25: {  	[simem:s6], [sflag:s4] =	dma.local [hbm:s3], $0xF7A  }
0x26: {  	[smem:$0x3F9F] =	sst s1;
	(tag) =	ssettag s2;
	_ =	strace s9  }
0x27: {  	s1 =	sld [smem:$0x3FAF]  }
0x28: {  	s2 =	sld [smem:$0x3FB0]  }
0x29: {  	s4 =	sld [smem:$0x3FB2]  }
0x2a: {  	p0 =	seq.s32 s5, $0x0;
	s5 =	sld [smem:$0x3FB3]  }
0x2b: {  	s6 =	sld [smem:$0x3FB4]  }
0x2c: {  	s7 =	sld [smem:$0x3FB5]  }
0x2d: {  	s3 =	simm.s32 $0x108;
	s8 =	sld [smem:$0x3FB6]  }
0x2e: {  	s3 =	simm.s32 @!p0 $0x1082;
	s9 =	sld [smem:$0x3FB7]  }
0x2f: {  	lr =	sadd.s32 s0, s3;
	s0 =	sld [smem:$0x3FAE]  }
0x30: {  	s3 =	sld [smem:$0x3FB1]  }
0x31: {  	[smem:$0x3FBA] =	sst s10  }
0x32: {  	s10 =	sld [smem:$0x3FB8];
	_ =	sdelay $0x3  }
0x33: {  	p0 =	seq.s32 s10, $0x1;
	s10 =	sld [smem:$0x3FBA];
	_ =	sdelay $0x3  }
0x34: {  	[smem:$0x3FBA] =	sst s10  }
0x35: {  	s10 =	sld [smem:$0x3FB9];
	_ =	sdelay $0x3  }
0x36: {  	p1 =	seq.s32 s10, $0x1;
	s10 =	sld [smem:$0x3FBA];
	_ =	sdelay $0x3  }
0x37: {  	[smem:$0x3FBA] =	sst s10  }
0x38: {  	s10 =	sld [smem:$0x3FBB]  }
0x39: {  	_ = 	snop;
	(pc) =	sbr.ind lr, $3  }
0x3a: {  	_ = 	snop  }
0x3b: {  	_ = 	snop  }
0x3c: {  	p2 =	seq.s32 s10, $0x1;
	s10 =	sld [smem:$0x3FBA]  }
0x3d: {  	_ =	shalt  }
0x3e: {  	_ =	shalt  }
0x3f: {  	_ =	shalt  }
0x40: {  	_ =	shalt  }
0x41: {  	_ =	shalt  }
0x42: {  	_ =	shalt  }
0x43: {  	_ =	shalt  }
0x44: {  	_ =	shalt  }
0x45: {  	_ =	shalt  }
0x46: {  	_ =	shalt  }
0x47: {  	_ =	shalt  }
0x48: {  	_ =	shalt  }
0x49: {  	_ =	shalt  }
0x4a: {  	_ =	shalt  }
0x4b: {  	_ =	shalt  }
0x4c: {  	_ =	shalt  }
0x4d: {  	_ =	shalt  }
0x4e: {  	_ =	shalt  }
0x4f: {  	_ =	shalt  }
0x50: {  	_ =	shalt  }
0x51: {  	_ =	shalt  }
0x52: {  	_ =	shalt  }
0x53: {  	_ =	shalt  }
0x54: {  	_ =	shalt  }
0x55: {  	_ =	shalt  }
0x56: {  	_ =	shalt  }
0x57: {  	_ =	shalt  }
0x58: {  	_ =	shalt  }
0x59: {  	_ =	shalt  }
0x5a: {  	_ =	shalt  }
0x5b: {  	_ =	shalt  }
0x5c: {  	_ =	shalt  }
0x5d: {  	_ =	shalt  }
0x5e: {  	_ =	shalt  }
0x5f: {  	_ =	shalt  }
0x60: {  	_ =	shalt  }
0x61: {  	_ =	shalt  }
0x62: {  	_ =	shalt  }
0x63: {  	_ =	shalt  }
0x64: {  	_ =	shalt  }
0x65: {  	_ =	shalt  }
0x66: {  	_ =	shalt  }
0x67: {  	_ =	shalt  }
0x68: {  	_ =	shalt  }
0x69: {  	_ =	shalt  }
0x6a: {  	_ =	shalt  }
0x6b: {  	_ =	shalt  }
0x6c: {  	_ =	shalt  }
0x6d: {  	_ =	shalt  }
0x6e: {  	_ =	shalt  }
0x6f: {  	_ =	shalt  }
0x70: {  	_ =	shalt  }
0x71: {  	_ =	shalt  }
0x72: {  	_ =	shalt  }
0x73: {  	_ =	shalt  }
0x74: {  	_ =	shalt  }
0x75: {  	_ =	shalt  }
0x76: {  	_ =	shalt  }
0x77: {  	_ =	shalt  }
0x78: {  	_ =	shalt  }
0x79: {  	_ =	shalt  }
0x7a: {  	_ =	shalt  }
0x7b: {  	_ =	shalt  }
0x7c: {  	_ =	shalt  }
0x7d: {  	_ =	shalt  }
0x7e: {  	_ =	shalt  }
0x7f: {  	_ =	shalt  }
0x80: {  	_ =	shalt  }
0x81: {  	_ =	shalt  }
0x82: {  	_ =	shalt  }
0x83: {  	_ =	shalt  }
0x84: {  	_ =	shalt  }
0x85: {  	_ =	shalt  }
0x86: {  	_ =	shalt  }
0x87: {  	_ =	shalt  }
.Lfunc_end0:
.L_simem_size_0:
called_computation_lowered:
.L_overlay_start_0:
0x88: {  	s2 =	sld [smem:$0x3FD9]  }
0x89: {  	s3 =	sld [smem:$0x3FFE];
	_ =	sdelay $0x1  }
0x8a: {  	s1 =	srdreg.scid  }
0x8b: {  	s0 =	sand.u32 $0x1, s1  }
0x8c: {  	s17 =	sshll.u32 s0, $0xA;
	s2 =	sadd.s32 s3, s2  }
0x8d: {  	s2 =	sadd.s32 s2, s17  }
0x8e: {  	[smem:$0x3FC6] =	sst s2  }
0x8f: {  	_ = 	snop  }
0x90: {  	s2 =	sld [smem:$0x3FC9]  }
0x91: {  	s18 =	sld [smem:$0x3FD0];
	(tm) =	ssettm $0x1  }
0x92: {  	s4 =	sld [smem:$0x3FFB];
	_ =	sdelay $0x3  }
0x93: {  	_ =	strace s4  }
0x94: {  	s4 =	sld [smem:$0x3FFC];
	_ =	sdelay $0x3  }
0x95: {  	_ =	strace s4  }
0x96: {  	s4 =	sld [smem:$0x3FFD];
	_ =	sdelay $0x3  }
0x97: {  	_ =	strace s4  }
0x98: {  	_ =	strace $0x8FFFFFFF  }
0x99: {  	s19 =	sld [smem:$0x3FDB];
	_ =	sdelay $0x1  }
0x9a: {  	s5 =	simm.s32 $_scs_section_size  }
0x9b: {  	s6 =	simm.s32 $_size__tile_overlayer_lowered;
	s7 =	simm.s32 $_tile_overlayer_lowered  }
0x9c: {  	s22 =	simm.s32 $0x1BFF;
	s21 =	sshll.u32 s7, $0x1;
	s4 =	sadd.s32 s5, s19  }
0x9d: {  	s8 =	simm.s32 $0x0;
	s20 =	sshll.u32 s6, $0x1;
	s6 =	sadd.s32 s21, s4  }
0x9e: {  	[timem:s8], [sflag:s22] =	dma.local [hbm:s6], s20  }
0x9f: {  	_ =	swait.ge [sflag:s22], s20  }
0xa0: {  	s5 =	ssub.s32 $0x0, s20;
	[sflag:s22] =	ssyncset.done $0x0  }
0xa1: {  	[sflag:s22] =	ssyncadd.s32 s5;
	_ =	sdelay $0x1  }
0xa2: {  	s23 =	simm.s32 $0x1B8B  }
0xa3: {  	_ =	swait.ge [sflag:s23], $0x1  }
0xa4: {  	[sflag:s23] =	ssyncset.done $0x0  }
0xa5: {  	s25 =	simm.s32 $0x1B8E;
	s24 =	sld [smem:$0x3FFE];
	[sflag:s23] =	ssyncadd.s32 $0xFFFFFFFF  }
0xa6: {  	s26 =	simm.s32 $execute0_lowered;
	[smem:$0x3FD2] =	sst s25  }
0xa7: {  	s6 =	sshll.u32 s26, $0x1;
	_ =	strace $0x80000046;
	[dreg:$0x1] =	wrdreg $0xFFFFFFFF  }
0xa8: {  	s28 =	simm.s32 $_size_execute0_lowered;
	s4 =	sadd.s32 s4, s6;
	[dreg:$0x0] =	wrdreg $0x0  }
0xa9: {  	s6 =	sshll.u32 s28, $0x1;
	[dreg:$0x2] =	wrdreg s4  }
0xaa: {  	[dreg:$0x3] =	wrdreg s6  }
0xab: {  	[dreg:$0x4] =	wrdreg $0xC0  }
0xac: {  	_ =	task [dreg:s8], $0x5FFFF  }
0xad: {  	[dreg:$0x1] =	wrdreg $0xFFFFFFFF  }
0xae: {  	[dreg:$0x0] =	wrdreg $0x60  }
0xaf: {  	[dreg:$0x2] =	wrdreg s2  }
0xb0: {  	[dreg:$0x3] =	wrdreg s24  }
0xb1: {  	[dreg:$0x4] =	wrdreg s18  }
0xb2: {  	[dreg:$0x5] =	wrdreg $0x9  }
0xb3: {  	_ =	task.clear_ibuf [dreg:s8], $0x6FFFF;
	_ =	strace $0x90000046  }
0xb4: {  	s29 =	simm.s32 $0x9;
	_ =	strace $0x80000048  }
0xb5: {  	_ =	swait.ge [sflag:s29], $0x1  }
0xb6: {  	[sflag:s29] =	ssyncadd.s32 $0xFFFFFFFF  }
0xb7: {  	_ =	strace $0x90000048  }
0xb8: {  	_ =	sfence  }
0xb9: {  	s30 =	sld [smem:$0x0];
	_ =	sdelay $0x2  }
0xba: {  	s31 =	sshll.u32 s1, $0xD;
	s1 =	sshrl.u32 s1, $0x2  }
0xbb: {  	s3 =	sand.u32 $0x4000, s31;
	s1 =	sadd.s32 s1, s30  }
0xbc: {  	s0 =	sor.u32 s3, s0;
	s1 =	sshll.u32 s1, $0x11  }
0xbd: {  	s0 =	sor.u32 s1, s0  }
0xbe: {  	s0 =	sadd.s32 $0x8F2B, s0  }
0xbf: {  	[sflag:s0] =	ssyncadd.remote.s32 $0x1  }
0xc0: {  	_ =	sfence.sel $0xFFFF  }
0xc1: {  	[dreg:$0x0] =	wrdreg $0xFFFFFFFF;
	(pc) =	sbr.abs _section_cstart, $3  }
0xc2: {  	[dreg:$0x1] =	wrdreg $0xFFFFFFFF  }
0xc3: {  	_ =	task.clear_ibuf [dreg:s8], $0x2FFFF;
	_ =	strace $0x9FFFFFFF  }
0xc4: {  	(tm) =	ssettm $0x7FFFFFFF  }
0xc5: {  	_ =	shalt  }
tec
execute0_lowered:
.L_overlay_start_1:
0x0: {  	(tag) =	ssettag $0x1  }
0x1: {  	s1 =	srdreg.scid  }
0x2: {  	s0 =	stileid.u32;
	s23 =	sand.u32 $0x1, s1  }
0x3: {  	s1 =	sor.u32 s23, s0  }
0x4: {  	p1 =	seq.s32 s23, $0x1;
	p0 =	seq.s32 s1, $0x0  }
0x5: {  	p0 =	por !p0, !p1  }
0x6: {  	s1 =	simm.s32 $0x1;
	p0 =	por !p0, !p0  }
0x7: {  	s1 =	simm.s32 @!p0 $0x0  }
0x8: {  	s1 =	ssub.s32 s0, s1  }
0x9: {  	s2 =	sand.u32 $0xE0, s1  }
0xa: {  	s2 =	sshrl.u32 s2, $0x5  }
0xb: {  	s2 =	sadd.s32 s2, s1  }
0xc: {  	s3 =	sand.u32 $0xFFFFFFF8, s2  }
0xd: {  	s3 =	ssub.s32 s1, s3  }
0xe: {  	p5 =	slt.s32 s1, $0x1;
	p6 =	sne.s32 s3, $0x0  }
0xf: {  	p0 =	por !p5, !p6  }
0x10: {  	s1 =	simm.s32 $0x1;
	p0 =	por !p0, !p0  }
0x11: {  	s4 =	rddreg [dreg:$0x0];
	s2 =	sshra.s32 s2, $0x3;
	s1 =	simm.s32 @!p0 $0x0  }
0x12: {  	s5 =	rddreg [dreg:$0x1];
	s12 =	sand.u32 $0x7, s3;
	s9 =	ssub.s32 s2, s1  }
0x13: {  	s14 =	rddreg [dreg:$0x2];
	s30 =	sshll.u32 s12, $0xA;
	s1 =	sshll.u32 s9, $0xD  }
0x14: {  	s6 =	sshll.u32 s23, $0x9;
	s2 =	simm.s32 $0x0;
	s31 =	sor.u32 s30, s1  }
0x15: {  	[smem:$0x7FF] =	sst s2;
	s3 =	sor.u32 s6, s31  }
0x16: {  	s1 =	rddreg [dreg:$0x3];
	s3 =	sshrl.u32 s3, $0x3  }
0x17: {  	_ =	strace $0x80000047;
	s3 =	sadd.s32 s4, s3;
	s4 =	simm.s32 $0x9  }
0x18: {  	[tilespmem:s2], [sflag:$0x9] =	stream.linear.gather [hbm4b:s3+s2], $0x200, $0x38;
	[tilespmem:$0x8200] =	vst v63  }
0x19: {  	_ =	swait.ge [sflag:s4], $0x200  }
0x1a: {  	s7 =	simm.s32 $0x80;
	s8 =	simm.s32 $0x200;
	[sflag:s4] =	ssyncset.done $0x0  }
0x1b: {  	s13 =	simm.s32 $0x6200;
	s5 =	sadd.s32 $0x600, s5;
	[sflag:s4] =	ssyncadd.s32 $0xFFFFFE00  }
0x1c: {  	[tilespmem:s8], [sflag:$0x1] =	stream.indirect.gather [hbm4b:s5+s7], $0x40, s2, s7, $0xb8;
	[tilespmem:$0x8200] =	vst v63  }
0x1d: {  	s10 =	sshll.u32 s23, $0x12;
	s11 =	sshll.u32 s9, $0x13;
	s9 =	simm.s32 $0x2200  }
0x1e: {  	[tilespmem:s9], [sflag:$0x2] =	stream.indirect.gather [hbm4b:s5+s7], $0x40, s7, s7, $0xb8;
	[tilespmem:$0x8200] =	vst v63  }
0x1f: {  	s15 =	sor.u32 s10, s11;
	s10 =	simm.s32 $0x100;
	s11 =	simm.s32 $0x4200  }
0x20: {  	[tilespmem:s11], [sflag:$0x3] =	stream.indirect.gather [hbm4b:s5+s7], $0x40, s10, s7, $0xb8;
	[tilespmem:$0x8200] =	vst v63  }
0x21: {  	s16 =	sshll.u32 s12, $0xD;
	s12 =	simm.s32 $0x180;
	s6 =	simm.s32 $0x1  }
0x22: {  	[tilespmem:s13], [sflag:$0x4] =	stream.indirect.gather [hbm4b:s5+s7], $0x40, s12, s7, $0xb8;
	[tilespmem:$0x8200] =	vst v63  }
0x23: {  	s15 =	sor.u32 s16, s15;
	_ =	swait.ge [sflag:s6], $0x2000  }
0x24: {  	s15 =	sshrl.u32 s15, $0x3;
	[sflag:s6] =	ssyncset.done $0x0  }
0x25: {  	s14 =	sadd.s32 s14, s15;
	s15 =	simm.s32 $0x2;
	[sflag:s6] =	ssyncadd.s32 $0xFFFFE000  }
0x26: {  	[hbm4b:s14+s2] =	stream.linear.scatter [tilespmem:s8], [sflag:$0x5], $0x2000, $0x38;
	[tilespmem:$0x8200] =	vst v63  }
0x27: {  	_ =	swait.ge [sflag:s15], $0x2000  }
0x28: {  	[sflag:s15] =	ssyncset.done $0x0  }
0x29: {  	s17 =	simm.s32 $0x3;
	s16 =	sadd.s32 $0x2000, s14;
	[sflag:s15] =	ssyncadd.s32 $0xFFFFE000  }
0x2a: {  	[hbm4b:s16+s2] =	stream.linear.scatter [tilespmem:s9], [sflag:$0x6], $0x2000, $0x38;
	[tilespmem:$0x8200] =	vst v63  }
0x2b: {  	_ =	swait.ge [sflag:s17], $0x2000  }
0x2c: {  	[sflag:s17] =	ssyncset.done $0x0  }
0x2d: {  	s19 =	simm.s32 $0x4;
	s18 =	sadd.s32 $0x4000, s14;
	[sflag:s17] =	ssyncadd.s32 $0xFFFFE000  }
0x2e: {  	[hbm4b:s18+s2] =	stream.linear.scatter [tilespmem:s11], [sflag:$0x7], $0x2000, $0x38;
	[tilespmem:$0x8200] =	vst v63  }
0x2f: {  	_ =	swait.ge [sflag:s19], $0x2000  }
0x30: {  	[sflag:s19] =	ssyncset.done $0x0  }
0x31: {  	s21 =	simm.s32 $0x5;
	s20 =	sadd.s32 $0x6000, s14;
	[sflag:s19] =	ssyncadd.s32 $0xFFFFE000  }
0x32: {  	[hbm4b:s20+s2] =	stream.linear.scatter [tilespmem:s13], [sflag:$0x8], $0x2000, $0x38;
	[tilespmem:$0x8200] =	vst v63  }
0x33: {  	_ =	swait.ge [sflag:s21], $0x2000  }
0x34: {  	s24 =	ssub.s32 $0x2, s23;
	[sflag:s21] =	ssyncset.done $0x0  }
0x35: {  	s22 =	simm.s32 $0x6;
	s25 =	sshrl.u32 s24, $0x1;
	[sflag:s21] =	ssyncadd.s32 $0xFFFFE000  }
0x36: {  	s24 =	ssub.s32 s24, s25;
	_ =	swait.ge [sflag:s22], $0x2000  }
0x37: {  	s25 =	smax.u32 s24, $0x1;
	[sflag:s22] =	ssyncset.done $0x0  }
0x38: {  	s23 =	simm.s32 $0x7;
	p0 =	sne.s32 s25, $0x1;
	[sflag:s22] =	ssyncadd.s32 $0xFFFFE000  }
.Ltmp0:
0x39: {  	_ =	swait.ge [sflag:s23], $0x2000;
	(pc) =	sbr.rel @!p0 .LBB2_2-.Ltmp0, $4  }
0x3a: {  	[sflag:s23] =	ssyncset.done $0x0  }
0x3b: {  	s24 =	simm.s32 $0x8;
	[sflag:s23] =	ssyncadd.s32 $0xFFFFE000  }
0x3c: {  	_ =	swait.ge [sflag:s24], $0x2000  }
0x3d: {  	s25 =	sadd.s32 $0xFFFFFFFF, s25;
	[sflag:s24] =	ssyncset.done $0x0  }
.LBB2_1:
0x3e: {  	p0 =	sne.s32 s25, $0x1;
	s25 =	sadd.s32 $0xFFFFFFFF, s25;
	[sflag:s24] =	ssyncadd.s32 $0xFFFFE000  }
0x3f: {  	[tilespmem:s2], [sflag:$0x9] =	stream.linear.gather [hbm4b:s3+s2], $0x200, $0x38;
	[tilespmem:$0x8200] =	vst v63  }
0x40: {  	_ =	swait.ge [sflag:s4], $0x200  }
0x41: {  	[sflag:s4] =	ssyncset.done $0x0  }
0x42: {  	[sflag:s4] =	ssyncadd.s32 $0xFFFFFE00  }
0x43: {  	[tilespmem:s8], [sflag:$0x1] =	stream.indirect.gather [hbm4b:s5+s7], $0x40, s2, s7, $0xb8;
	[tilespmem:$0x8200] =	vst v63  }
0x44: {  	_ = 	snop  }
0x45: {  	[tilespmem:s9], [sflag:$0x2] =	stream.indirect.gather [hbm4b:s5+s7], $0x40, s7, s7, $0xb8;
	[tilespmem:$0x8200] =	vst v63  }
0x46: {  	_ = 	snop  }
0x47: {  	[tilespmem:s11], [sflag:$0x3] =	stream.indirect.gather [hbm4b:s5+s7], $0x40, s10, s7, $0xb8;
	[tilespmem:$0x8200] =	vst v63  }
0x48: {  	_ = 	snop  }
0x49: {  	[tilespmem:s13], [sflag:$0x4] =	stream.indirect.gather [hbm4b:s5+s7], $0x40, s12, s7, $0xb8;
	[tilespmem:$0x8200] =	vst v63  }
0x4a: {  	_ =	swait.ge [sflag:s6], $0x2000  }
0x4b: {  	[sflag:s6] =	ssyncset.done $0x0  }
0x4c: {  	[sflag:s6] =	ssyncadd.s32 $0xFFFFE000  }
0x4d: {  	[hbm4b:s14+s2] =	stream.linear.scatter [tilespmem:s8], [sflag:$0x5], $0x2000, $0x38;
	[tilespmem:$0x8200] =	vst v63  }
0x4e: {  	_ =	swait.ge [sflag:s15], $0x2000  }
0x4f: {  	[sflag:s15] =	ssyncset.done $0x0  }
0x50: {  	[sflag:s15] =	ssyncadd.s32 $0xFFFFE000  }
0x51: {  	[hbm4b:s16+s2] =	stream.linear.scatter [tilespmem:s9], [sflag:$0x6], $0x2000, $0x38;
	[tilespmem:$0x8200] =	vst v63  }
0x52: {  	_ =	swait.ge [sflag:s17], $0x2000  }
0x53: {  	[sflag:s17] =	ssyncset.done $0x0  }
0x54: {  	[sflag:s17] =	ssyncadd.s32 $0xFFFFE000  }
0x55: {  	[hbm4b:s18+s2] =	stream.linear.scatter [tilespmem:s11], [sflag:$0x7], $0x2000, $0x38;
	[tilespmem:$0x8200] =	vst v63  }
0x56: {  	_ =	swait.ge [sflag:s19], $0x2000  }
0x57: {  	[sflag:s19] =	ssyncset.done $0x0  }
0x58: {  	[sflag:s19] =	ssyncadd.s32 $0xFFFFE000  }
0x59: {  	[hbm4b:s20+s2] =	stream.linear.scatter [tilespmem:s13], [sflag:$0x8], $0x2000, $0x38;
	[tilespmem:$0x8200] =	vst v63  }
0x5a: {  	_ =	swait.ge [sflag:s21], $0x2000  }
0x5b: {  	[sflag:s21] =	ssyncset.done $0x0  }
0x5c: {  	[sflag:s21] =	ssyncadd.s32 $0xFFFFE000  }
0x5d: {  	_ =	swait.ge [sflag:s22], $0x2000  }
0x5e: {  	[sflag:s22] =	ssyncset.done $0x0  }
0x5f: {  	[sflag:s22] =	ssyncadd.s32 $0xFFFFE000  }
.Ltmp1:
0x60: {  	_ =	swait.ge [sflag:s23], $0x2000;
	(pc) =	sbr.rel @p0 .LBB2_1-.Ltmp1, $4  }
0x61: {  	[sflag:s23] =	ssyncset.done $0x0  }
0x62: {  	[sflag:s23] =	ssyncadd.s32 $0xFFFFE000  }
0x63: {  	_ =	swait.ge [sflag:s24], $0x2000  }
0x64: {  	[sflag:s24] =	ssyncset.done $0x0  }
.LBB2_2:
0x65: {  	[sflag:s24] =	ssyncadd.s32 $0xFFFFE000  }
0x66: {  	_ =	sfence.sel $0x180000  }
0x67: {  	[bflag:$0x0] =	sbarrier.arrive $0xFFFF  }
0x68: {  	p0 =	sne.s32 s0, $0x0;
	_ =	strace $0x90000047  }
0x69: {  	s0 =	sadd.s32 @!p0 $0x100000, s1;
	[bflag:$0x2] =	sbarrier.arrive $0xFFFF  }
0x6a: {  	[sflag:s0] =	ssyncadd.tile.s32 @!p0 $0x1;
	_ =	shalt  }
.Lfunc_end2:
_tile_overlayer_lowered:
.L_overlay_start_2:
0x6b: {  	(tag) =	ssettag $0x2  }
0x6c: {  	s0 =	rddreg [dreg:$0x0];
	s2 =	stileid.u32  }
0x6d: {  	s1 =	rddreg [dreg:$0x1];
	p0 =	sne.s32 s2, $0x0  }
0x6e: {  	s3 =	rddreg [dreg:$0x2];
	[bflag:$0x3] =	sbarrier.arrive $0xFFFF;
	s2 =	simm.s32 @!p0 $0x1C09  }
0x6f: {  	[timem:s3], [sflag:s2] =	dma.local @!p0 [hbm:s0], s1  }
0x70: {  	s0 =	simm.s32 @!p0 $0x9  }
0x71: {  	_ =	swait.ge @!p0 [sflag:s0], s1  }
0x72: {  	s1 =	ssub.s32 @!p0 $0x0, s1;
	[sflag:s0] =	ssyncset.done @!p0 $0x0  }
0x73: {  	[sflag:s0] =	ssyncadd.s32 @!p0 s1  }
0x74: {  	[bflag:$0x3] =	sbarrier.arrive $0xFFFF  }
0x75: {  	_ =	shalt  }

</sc_bundles>
